<compile_context>
chip_gen: v7x
topology: tpu7x:2x2x1
jax: 0.10.2.dev20260603
libtpu: 0.0.44.dev20260713+nightly
codegen_flags: <defaults>
</compile_context>

<pallas_src>
import functools

import jax
import jax.numpy as jnp
from jax import lax
from jax.experimental import pallas as pl
from jax.experimental.pallas import tpu as pltpu
from jax.experimental.pallas import tpu_sc as plsc

D_MODEL = 512
NUM_CORES = 2
NUM_SUBCORES = 16
NUM_WORKERS = NUM_CORES * NUM_SUBCORES
CHUNK = 80


@functools.partial(jax.jit, static_argnums=(2,))
def _gather_rows(pe, doy3, nch):
    n_rows = NUM_WORKERS * nch * CHUNK
    per_w = nch * CHUNK
    mesh = plsc.VectorSubcoreMesh(
        core_axis_name="c", subcore_axis_name="s",
        num_cores=NUM_CORES, num_subcores=NUM_SUBCORES)

    @functools.partial(
        pl.kernel,
        mesh=mesh,
        out_type=jax.ShapeDtypeStruct((n_rows, D_MODEL), jnp.float32),
        scratch_types=[
            pltpu.VMEM((nch, CHUNK), jnp.int32),
            pltpu.VMEM((CHUNK, D_MODEL), jnp.float32),
            pltpu.VMEM((CHUNK, D_MODEL), jnp.float32),
            pltpu.SemaphoreType.DMA,
            pltpu.SemaphoreType.DMA,
            pltpu.SemaphoreType.DMA,
            pltpu.SemaphoreType.DMA,
        ],
    )
    def k(pe_hbm, doy_hbm, out_hbm, idx_v, buf0, buf1, g0, g1, o0, o1):
        wid = lax.axis_index("s") * NUM_CORES + lax.axis_index("c")
        base = wid * per_w
        bufs = (buf0, buf1)
        gsems = (g0, g1)
        osems = (o0, o1)

        pltpu.sync_copy(doy_hbm.at[wid], idx_v)
        for b in range(2):
            pltpu.make_async_copy(
                pe_hbm.at[idx_v.at[b]], bufs[b], gsems[b]).start()

        def body(gp, carry):
            for b in range(2):
                g = gp * 2 + b
                pltpu.make_async_copy(
                    pe_hbm.at[idx_v.at[g]], bufs[b], gsems[b]).wait()
                out_slice = out_hbm.at[pl.ds(base + g * CHUNK, CHUNK)]
                pltpu.make_async_copy(bufs[b], out_slice, osems[b]).start()

                @pl.when(g >= 2)
                def _():
                    pltpu.make_async_copy(bufs[b], out_slice, osems[b]).wait()

                @pl.when(g + 2 < nch)
                def _():
                    pltpu.make_async_copy(
                        pe_hbm.at[idx_v.at[g + 2]], bufs[b], gsems[b]).start()

            return carry

        lax.fori_loop(0, nch // 2, body, 0)
        for b in range(2):
            pltpu.make_async_copy(
                bufs[b], out_hbm.at[pl.ds(base, CHUNK)], osems[b]).wait()

    return k(pe, doy3)


def kernel(doy, pe):
    batch, hist = doy.shape
    n_rows = batch * hist
    per_w = n_rows // NUM_WORKERS
    nch = per_w // CHUNK
    doy3 = doy.reshape(NUM_WORKERS, nch, CHUNK).astype(jnp.int32)
    out = _gather_rows(pe, doy3, nch)
    return out.reshape(batch, hist, pe.shape[1])

# --- scband reference (transcript-rebuilt; emitter-appended) ---
"""Pipeline reference for scband-positional-encoding-41592463294885 (READ-ONLY COPY).

The authoritative reference and input builder live on the scoring server;
editing this copy changes nothing except your own understanding.
"""

import math
import jax, jax.numpy as jnp
import numpy as np

D_MODEL = 512
MAX_LEN = 1825
BATCH = 4096
HIST = 200

def _build_pe():
    pe = np.zeros((MAX_LEN + 1, D_MODEL), dtype=np.float32)
    position = np.arange(0, MAX_LEN, dtype=np.float32)[:, None]
    div_term = np.exp(np.arange(0, D_MODEL, 2, dtype=np.float32) * -(math.log(10000.0) / D_MODEL))
    pe[1:, 0::2] = np.sin(position * div_term)
    pe[1:, 1::2] = np.cos(position * div_term)
    return jnp.asarray(pe)

def setup_inputs(seed: int = 0) -> dict:
    key = jax.random.key(seed)
    doy = jax.random.randint(key, (BATCH, HIST), 0, MAX_LEN + 1, dtype=jnp.int64 if jax.config.jax_enable_x64 else jnp.int32)
    pe = _build_pe()
    return {"doy": doy, "pe": pe}

def reference(doy, pe):
    # Faithful translation of forward: return self.pe[doy, :]
    return jnp.take(pe, doy, axis=0)

if __name__ == "__main__":
    import jax
    _d = setup_inputs()
    print(jax.jit(kernel)(*tuple(_d.values())))

</pallas_src>

<mosaic_0001>
#map = affine_map<(d0, d1) -> (0, 0)>
#map1 = affine_map<(d0, d1) -> (0, 0, 0)>
module attributes {stable_mosaic.version = 14 : i64} {
  func.func @k(%arg0: i32, %arg1: i32, %arg2: memref<1826x512xf32, #tpu.memory_space<hbm>>, %arg3: memref<32x320x80xi32, #tpu.memory_space<hbm>>, %arg4: memref<819200x512xf32, #tpu.memory_space<hbm>>, %arg5: memref<320x80xi32, #tpu.memory_space<vmem>>, %arg6: memref<80x512xf32, #tpu.memory_space<vmem>>, %arg7: memref<80x512xf32, #tpu.memory_space<vmem>>, %arg8: memref<!tpu.dma_semaphore, #tpu.memory_space<semaphore_mem>>, %arg9: memref<!tpu.dma_semaphore, #tpu.memory_space<semaphore_mem>>, %arg10: memref<!tpu.dma_semaphore, #tpu.memory_space<semaphore_mem>>, %arg11: memref<!tpu.dma_semaphore, #tpu.memory_space<semaphore_mem>>) attributes {dimension_semantics = [#tpu.dimension_semantics<core_parallel>, #tpu.dimension_semantics<subcore_parallel>], iteration_bounds = array<i64: 2, 16>, scalar_prefetch = 0 : i64, scratch_operands = 7 : i64, tpu.core_type = #tpu.core_type<sc_vector_subcore>, window_params = [{transform_indices = #map}, {transform_indices = #map1}, {transform_indices = #map}]} {
    %mul3A = arith.constant 2 : i32
    %mul3A_0 = arith.muli %arg1, %mul3A : i32
    %add3A = arith.addi %mul3A_0, %arg0 : i32
    %mul3A_1 = arith.constant 25600 : i32
    %mul3A_2 = arith.muli %add3A, %mul3A_1 : i32
    "tpu.region"() ({
      %run_scoped3A = tpu.sem_alloc : memref<!tpu.dma_semaphore, #tpu.memory_space<semaphore_mem>>
      %dma_start3A_28 = arith.constant 0 : i32
      %dma_start3A_29 = arith.constant 0 : i32
      %dma_start3A_30 = tpu.memref_slice %arg3[%add3A, %dma_start3A_28, %dma_start3A_29] : memref<32x320x80xi32, #tpu.memory_space<hbm>> -> memref<1x320x80xi32, #tpu.memory_space<hbm>>
      %dma_start3A_31 = tpu.memref_squeeze %dma_start3A_30 : memref<1x320x80xi32, #tpu.memory_space<hbm>> -> memref<320x80xi32, #tpu.memory_space<hbm>>
      %dma_start3A_32 = arith.constant 0 : i32
      %dma_start3A_33 = arith.constant 0 : i32
      %dma_start3A_34 = tpu.memref_slice %arg3[%add3A, %dma_start3A_32, %dma_start3A_33] : memref<32x320x80xi32, #tpu.memory_space<hbm>> -> memref<1x320x80xi32, #tpu.memory_space<hbm>>
      %dma_start3A_35 = tpu.memref_squeeze %dma_start3A_34 : memref<1x320x80xi32, #tpu.memory_space<hbm>> -> memref<320x80xi32, #tpu.memory_space<hbm>>
      tpu.enqueue_dma source(%dma_start3A_35 : memref<320x80xi32, #tpu.memory_space<hbm>>) target(%arg5 : memref<320x80xi32, #tpu.memory_space<vmem>>) target_semaphore(%run_scoped3A : memref<!tpu.dma_semaphore, #tpu.memory_space<semaphore_mem>>)
      %dma_wait3A_36 = arith.constant 0 : i32
      %dma_wait3A_37 = arith.constant 0 : i32
      %dma_wait3A_38 = tpu.memref_slice %arg3[%add3A, %dma_wait3A_36, %dma_wait3A_37] : memref<32x320x80xi32, #tpu.memory_space<hbm>> -> memref<1x320x80xi32, #tpu.memory_space<hbm>>
      %dma_wait3A_39 = tpu.memref_squeeze %dma_wait3A_38 : memref<1x320x80xi32, #tpu.memory_space<hbm>> -> memref<320x80xi32, #tpu.memory_space<hbm>>
      %dma_wait3A_40 = arith.constant 0 : i32
      %dma_wait3A_41 = arith.constant 0 : i32
      %dma_wait3A_42 = tpu.memref_slice %arg3[%add3A, %dma_wait3A_40, %dma_wait3A_41] : memref<32x320x80xi32, #tpu.memory_space<hbm>> -> memref<1x320x80xi32, #tpu.memory_space<hbm>>
      %dma_wait3A_43 = tpu.memref_squeeze %dma_wait3A_42 : memref<1x320x80xi32, #tpu.memory_space<hbm>> -> memref<320x80xi32, #tpu.memory_space<hbm>>
      tpu.wait_dma2 semaphore(%run_scoped3A : memref<!tpu.dma_semaphore, #tpu.memory_space<semaphore_mem>>) src(%dma_wait3A_43 : memref<320x80xi32, #tpu.memory_space<hbm>>) dst(%arg5 : memref<320x80xi32, #tpu.memory_space<vmem>>)
      tpu.yield
    }) : () -> ()
    %dma_start3A = arith.constant 0 : i32
    %dma_start3A_3 = arith.constant 0 : i32
    %dma_start3A_4 = tpu.memref_slice %arg5[%dma_start3A, %dma_start3A_3] : memref<320x80xi32, #tpu.memory_space<vmem>> -> memref<1x80xi32, #tpu.memory_space<vmem>>
    %dma_start3A_5 = tpu.memref_squeeze %dma_start3A_4 : memref<1x80xi32, #tpu.memory_space<vmem>> -> memref<80xi32, #tpu.memory_space<vmem>>
    %dma_start3A_6 = arith.constant 0 : i32
    %dma_start3A_7 = arith.constant 0 : i32
    %dma_start3A_8 = tpu.memref_slice %arg2[%dma_start3A_6, %dma_start3A_7] : memref<1826x512xf32, #tpu.memory_space<hbm>> -> memref<1826x512xf32, #tpu.memory_space<hbm>>
    tpu.enqueue_indirect_dma source(%dma_start3A_8 : memref<1826x512xf32, #tpu.memory_space<hbm>>) target(%arg6 : memref<80x512xf32, #tpu.memory_space<vmem>>) offsets(%dma_start3A_5 : memref<80xi32, #tpu.memory_space<vmem>>) semaphore(%arg8 : memref<!tpu.dma_semaphore, #tpu.memory_space<semaphore_mem>>)
    %dma_start3A_9 = arith.constant 1 : i32
    %dma_start3A_10 = arith.constant 0 : i32
    %dma_start3A_11 = tpu.memref_slice %arg5[%dma_start3A_9, %dma_start3A_10] : memref<320x80xi32, #tpu.memory_space<vmem>> -> memref<1x80xi32, #tpu.memory_space<vmem>>
    %dma_start3A_12 = tpu.memref_squeeze %dma_start3A_11 : memref<1x80xi32, #tpu.memory_space<vmem>> -> memref<80xi32, #tpu.memory_space<vmem>>
    %dma_start3A_13 = arith.constant 0 : i32
    %dma_start3A_14 = arith.constant 0 : i32
    %dma_start3A_15 = tpu.memref_slice %arg2[%dma_start3A_13, %dma_start3A_14] : memref<1826x512xf32, #tpu.memory_space<hbm>> -> memref<1826x512xf32, #tpu.memory_space<hbm>>
    tpu.enqueue_indirect_dma source(%dma_start3A_15 : memref<1826x512xf32, #tpu.memory_space<hbm>>) target(%arg7 : memref<80x512xf32, #tpu.memory_space<vmem>>) offsets(%dma_start3A_12 : memref<80xi32, #tpu.memory_space<vmem>>) semaphore(%arg9 : memref<!tpu.dma_semaphore, #tpu.memory_space<semaphore_mem>>)
    %scan3A = arith.constant 0 : i32
    %scan3A_16 = arith.constant 0 : i32
    %scan3A_17 = arith.constant 160 : i32
    %scan3A_18 = arith.addi %scan3A_16, %scan3A_17 : i32
    %scan3A_19 = arith.constant 1 : i32
    scf.for %scan3A_28 = %scan3A_16 to %scan3A_18 step %scan3A_19  : i32 {
      %mul3A_29 = arith.constant 2 : i32
      %mul3A_30 = arith.muli %scan3A_28, %mul3A_29 : i32
      %add3A_31 = arith.constant 0 : i32
      %add3A_32 = arith.addi %mul3A_30, %add3A_31 : i32
      %dma_wait3A_33 = arith.constant 0 : i32
      %dma_wait3A_34 = tpu.memref_slice %arg5[%add3A_32, %dma_wait3A_33] : memref<320x80xi32, #tpu.memory_space<vmem>> -> memref<1x80xi32, #tpu.memory_space<vmem>>
      %dma_wait3A_35 = tpu.memref_squeeze %dma_wait3A_34 : memref<1x80xi32, #tpu.memory_space<vmem>> -> memref<80xi32, #tpu.memory_space<vmem>>
      %dma_wait3A_36 = arith.constant 0 : i32
      %dma_wait3A_37 = arith.constant 0 : i32
      %dma_wait3A_38 = tpu.memref_slice %arg2[%dma_wait3A_36, %dma_wait3A_37] : memref<1826x512xf32, #tpu.memory_space<hbm>> -> memref<1826x512xf32, #tpu.memory_space<hbm>>
      tpu.wait_indirect_dma semaphore(%arg8 : memref<!tpu.dma_semaphore, #tpu.memory_space<semaphore_mem>>) src(%dma_wait3A_38 : memref<1826x512xf32, #tpu.memory_space<hbm>>) dst(%arg6 : memref<80x512xf32, #tpu.memory_space<vmem>>)
      %mul3A_39 = arith.constant 80 : i32
      %mul3A_40 = arith.muli %add3A_32, %mul3A_39 : i32
      %add3A_41 = arith.addi %mul3A_2, %mul3A_40 : i32
      %dma_start3A_42 = arith.constant 0 : i32
      %dma_start3A_43 = tpu.memref_slice %arg4[%add3A_41, %dma_start3A_42] : memref<819200x512xf32, #tpu.memory_space<hbm>> -> memref<80x512xf32, #tpu.memory_space<hbm>>
      %dma_start3A_44 = arith.constant 0 : i32
      %dma_start3A_45 = tpu.memref_slice %arg4[%add3A_41, %dma_start3A_44] : memref<819200x512xf32, #tpu.memory_space<hbm>> -> memref<80x512xf32, #tpu.memory_space<hbm>>
      tpu.enqueue_dma source(%arg6 : memref<80x512xf32, #tpu.memory_space<vmem>>) target(%dma_start3A_45 : memref<80x512xf32, #tpu.memory_space<hbm>>) target_semaphore(%arg10 : memref<!tpu.dma_semaphore, #tpu.memory_space<semaphore_mem>>)
      %ge3A = arith.constant 2 : i32
      %ge3A_46 = arith.cmpi sge, %add3A_32, %ge3A : i32
      %convert_element_type3A = arith.extui %ge3A_46 : i1 to i32
      %cond3A = arith.constant 0 : i32
      %cond3A_47 = arith.cmpi ne, %convert_element_type3A, %cond3A : i32
      scf.if %cond3A_47 {
        %dma_wait3A_83 = arith.constant 0 : i32
        %dma_wait3A_84 = tpu.memref_slice %arg4[%add3A_41, %dma_wait3A_83] : memref<819200x512xf32, #tpu.memory_space<hbm>> -> memref<80x512xf32, #tpu.memory_space<hbm>>
        %dma_wait3A_85 = arith.constant 0 : i32
        %dma_wait3A_86 = tpu.memref_slice %arg4[%add3A_41, %dma_wait3A_85] : memref<819200x512xf32, #tpu.memory_space<hbm>> -> memref<80x512xf32, #tpu.memory_space<hbm>>
        tpu.wait_dma2 semaphore(%arg10 : memref<!tpu.dma_semaphore, #tpu.memory_space<semaphore_mem>>) src(%arg6 : memref<80x512xf32, #tpu.memory_space<vmem>>) dst(%dma_wait3A_86 : memref<80x512xf32, #tpu.memory_space<hbm>>)
      } else {
      }
      %add3A_48 = arith.constant 2 : i32
      %add3A_49 = arith.addi %add3A_32, %add3A_48 : i32
      %lt3A = arith.constant 320 : i32
      %lt3A_50 = arith.cmpi slt, %add3A_49, %lt3A : i32
      %convert_element_type3A_51 = arith.extui %lt3A_50 : i1 to i32
      %cond3A_52 = arith.constant 0 : i32
      %cond3A_53 = arith.cmpi ne, %convert_element_type3A_51, %cond3A_52 : i32
      scf.if %cond3A_53 {
        %add3A_83 = arith.constant 2 : i32
        %add3A_84 = arith.addi %add3A_32, %add3A_83 : i32
        %dma_start3A_85 = arith.constant 0 : i32
        %dma_start3A_86 = tpu.memref_slice %arg5[%add3A_84, %dma_start3A_85] : memref<320x80xi32, #tpu.memory_space<vmem>> -> memref<1x80xi32, #tpu.memory_space<vmem>>
        %dma_start3A_87 = tpu.memref_squeeze %dma_start3A_86 : memref<1x80xi32, #tpu.memory_space<vmem>> -> memref<80xi32, #tpu.memory_space<vmem>>
        %dma_start3A_88 = arith.constant 0 : i32
        %dma_start3A_89 = arith.constant 0 : i32
        %dma_start3A_90 = tpu.memref_slice %arg2[%dma_start3A_88, %dma_start3A_89] : memref<1826x512xf32, #tpu.memory_space<hbm>> -> memref<1826x512xf32, #tpu.memory_space<hbm>>
        tpu.enqueue_indirect_dma source(%dma_start3A_90 : memref<1826x512xf32, #tpu.memory_space<hbm>>) target(%arg6 : memref<80x512xf32, #tpu.memory_space<vmem>>) offsets(%dma_start3A_87 : memref<80xi32, #tpu.memory_space<vmem>>) semaphore(%arg8 : memref<!tpu.dma_semaphore, #tpu.memory_space<semaphore_mem>>)
      } else {
      }
      %mul3A_54 = arith.constant 2 : i32
      %mul3A_55 = arith.muli %scan3A_28, %mul3A_54 : i32
      %add3A_56 = arith.constant 1 : i32
      %add3A_57 = arith.addi %mul3A_55, %add3A_56 : i32
      %dma_wait3A_58 = arith.constant 0 : i32
      %dma_wait3A_59 = tpu.memref_slice %arg5[%add3A_57, %dma_wait3A_58] : memref<320x80xi32, #tpu.memory_space<vmem>> -> memref<1x80xi32, #tpu.memory_space<vmem>>
      %dma_wait3A_60 = tpu.memref_squeeze %dma_wait3A_59 : memref<1x80xi32, #tpu.memory_space<vmem>> -> memref<80xi32, #tpu.memory_space<vmem>>
      %dma_wait3A_61 = arith.constant 0 : i32
      %dma_wait3A_62 = arith.constant 0 : i32
      %dma_wait3A_63 = tpu.memref_slice %arg2[%dma_wait3A_61, %dma_wait3A_62] : memref<1826x512xf32, #tpu.memory_space<hbm>> -> memref<1826x512xf32, #tpu.memory_space<hbm>>
      tpu.wait_indirect_dma semaphore(%arg9 : memref<!tpu.dma_semaphore, #tpu.memory_space<semaphore_mem>>) src(%dma_wait3A_63 : memref<1826x512xf32, #tpu.memory_space<hbm>>) dst(%arg7 : memref<80x512xf32, #tpu.memory_space<vmem>>)
      %mul3A_64 = arith.constant 80 : i32
      %mul3A_65 = arith.muli %add3A_57, %mul3A_64 : i32
      %add3A_66 = arith.addi %mul3A_2, %mul3A_65 : i32
      %dma_start3A_67 = arith.constant 0 : i32
      %dma_start3A_68 = tpu.memref_slice %arg4[%add3A_66, %dma_start3A_67] : memref<819200x512xf32, #tpu.memory_space<hbm>> -> memref<80x512xf32, #tpu.memory_space<hbm>>
      %dma_start3A_69 = arith.constant 0 : i32
      %dma_start3A_70 = tpu.memref_slice %arg4[%add3A_66, %dma_start3A_69] : memref<819200x512xf32, #tpu.memory_space<hbm>> -> memref<80x512xf32, #tpu.memory_space<hbm>>
      tpu.enqueue_dma source(%arg7 : memref<80x512xf32, #tpu.memory_space<vmem>>) target(%dma_start3A_70 : memref<80x512xf32, #tpu.memory_space<hbm>>) target_semaphore(%arg11 : memref<!tpu.dma_semaphore, #tpu.memory_space<semaphore_mem>>)
      %ge3A_71 = arith.constant 2 : i32
      %ge3A_72 = arith.cmpi sge, %add3A_57, %ge3A_71 : i32
      %convert_element_type3A_73 = arith.extui %ge3A_72 : i1 to i32
      %cond3A_74 = arith.constant 0 : i32
      %cond3A_75 = arith.cmpi ne, %convert_element_type3A_73, %cond3A_74 : i32
      scf.if %cond3A_75 {
        %dma_wait3A_83 = arith.constant 0 : i32
        %dma_wait3A_84 = tpu.memref_slice %arg4[%add3A_66, %dma_wait3A_83] : memref<819200x512xf32, #tpu.memory_space<hbm>> -> memref<80x512xf32, #tpu.memory_space<hbm>>
        %dma_wait3A_85 = arith.constant 0 : i32
        %dma_wait3A_86 = tpu.memref_slice %arg4[%add3A_66, %dma_wait3A_85] : memref<819200x512xf32, #tpu.memory_space<hbm>> -> memref<80x512xf32, #tpu.memory_space<hbm>>
        tpu.wait_dma2 semaphore(%arg11 : memref<!tpu.dma_semaphore, #tpu.memory_space<semaphore_mem>>) src(%arg7 : memref<80x512xf32, #tpu.memory_space<vmem>>) dst(%dma_wait3A_86 : memref<80x512xf32, #tpu.memory_space<hbm>>)
      } else {
      }
      %add3A_76 = arith.constant 2 : i32
      %add3A_77 = arith.addi %add3A_57, %add3A_76 : i32
      %lt3A_78 = arith.constant 320 : i32
      %lt3A_79 = arith.cmpi slt, %add3A_77, %lt3A_78 : i32
      %convert_element_type3A_80 = arith.extui %lt3A_79 : i1 to i32
      %cond3A_81 = arith.constant 0 : i32
      %cond3A_82 = arith.cmpi ne, %convert_element_type3A_80, %cond3A_81 : i32
      scf.if %cond3A_82 {
        %add3A_83 = arith.constant 2 : i32
        %add3A_84 = arith.addi %add3A_57, %add3A_83 : i32
        %dma_start3A_85 = arith.constant 0 : i32
        %dma_start3A_86 = tpu.memref_slice %arg5[%add3A_84, %dma_start3A_85] : memref<320x80xi32, #tpu.memory_space<vmem>> -> memref<1x80xi32, #tpu.memory_space<vmem>>
        %dma_start3A_87 = tpu.memref_squeeze %dma_start3A_86 : memref<1x80xi32, #tpu.memory_space<vmem>> -> memref<80xi32, #tpu.memory_space<vmem>>
        %dma_start3A_88 = arith.constant 0 : i32
        %dma_start3A_89 = arith.constant 0 : i32
        %dma_start3A_90 = tpu.memref_slice %arg2[%dma_start3A_88, %dma_start3A_89] : memref<1826x512xf32, #tpu.memory_space<hbm>> -> memref<1826x512xf32, #tpu.memory_space<hbm>>
        tpu.enqueue_indirect_dma source(%dma_start3A_90 : memref<1826x512xf32, #tpu.memory_space<hbm>>) target(%arg7 : memref<80x512xf32, #tpu.memory_space<vmem>>) offsets(%dma_start3A_87 : memref<80xi32, #tpu.memory_space<vmem>>) semaphore(%arg9 : memref<!tpu.dma_semaphore, #tpu.memory_space<semaphore_mem>>)
      } else {
      }
    }
    %scan3A_20 = arith.constant 160 : i32
    %dma_wait3A = arith.constant 0 : i32
    %dma_wait3A_21 = tpu.memref_slice %arg4[%mul3A_2, %dma_wait3A] : memref<819200x512xf32, #tpu.memory_space<hbm>> -> memref<80x512xf32, #tpu.memory_space<hbm>>
    %dma_wait3A_22 = arith.constant 0 : i32
    %dma_wait3A_23 = tpu.memref_slice %arg4[%mul3A_2, %dma_wait3A_22] : memref<819200x512xf32, #tpu.memory_space<hbm>> -> memref<80x512xf32, #tpu.memory_space<hbm>>
    tpu.wait_dma2 semaphore(%arg10 : memref<!tpu.dma_semaphore, #tpu.memory_space<semaphore_mem>>) src(%arg6 : memref<80x512xf32, #tpu.memory_space<vmem>>) dst(%dma_wait3A_23 : memref<80x512xf32, #tpu.memory_space<hbm>>)
    %dma_wait3A_24 = arith.constant 0 : i32
    %dma_wait3A_25 = tpu.memref_slice %arg4[%mul3A_2, %dma_wait3A_24] : memref<819200x512xf32, #tpu.memory_space<hbm>> -> memref<80x512xf32, #tpu.memory_space<hbm>>
    %dma_wait3A_26 = arith.constant 0 : i32
    %dma_wait3A_27 = tpu.memref_slice %arg4[%mul3A_2, %dma_wait3A_26] : memref<819200x512xf32, #tpu.memory_space<hbm>> -> memref<80x512xf32, #tpu.memory_space<hbm>>
    tpu.wait_dma2 semaphore(%arg11 : memref<!tpu.dma_semaphore, #tpu.memory_space<semaphore_mem>>) src(%arg7 : memref<80x512xf32, #tpu.memory_space<vmem>>) dst(%dma_wait3A_27 : memref<80x512xf32, #tpu.memory_space<hbm>>)
    return
  }
}

</mosaic_0001>

<sc_bundles>
// kernel: _gather_rows.3.cloned.1.call-start
scs
__scs_entry_jumppad:
0x0: {  	(pc) =	sbr.rel $0x88, $3  }
0x1: {  	(tag) =	ssettag $0x0;
	lr =	simm.s32 $0x1  }
0x2: {  	[smem:$0x3F9F] =	sst lr;
	_ =	strace $0xD0000000  }
0x3: {  	_ = 	snop  }
0x4: {  	_ = 	snop  }
0x5: {  	_ = 	snop  }
0x6: {  	_ = 	snop  }
0x7: {  	_ = 	snop  }
__scs_overlays_trampoline_lowered:
0x8: {  	[smem:$0x3FAE] =	sst s0  }
0x9: {  	[smem:$0x3FAF] =	sst s1  }
0xa: {  	[smem:$0x3FB0] =	sst s2  }
0xb: {  	[smem:$0x3FB1] =	sst s3  }
0xc: {  	[smem:$0x3FB2] =	sst s4  }
0xd: {  	[smem:$0x3FB3] =	sst s5  }
0xe: {  	[smem:$0x3FB4] =	sst s6  }
0xf: {  	[smem:$0x3FB5] =	sst s7  }
0x10: {  	[smem:$0x3FB6] =	sst s8  }
0x11: {  	[smem:$0x3FB7] =	sst s9;
	s0 =	simm.s32 @!p0 $0x0  }
0x12: {  	s1 =	sld [smem:$0x3F9D];
	s0 =	simm.s32 @p0 $0x1  }
0x13: {  	[smem:$0x3FB8] =	sst s0;
	s0 =	simm.s32 @!p1 $0x0  }
0x14: {  	s2 =	sld [smem:$0x3F9C];
	s0 =	simm.s32 @p1 $0x1  }
0x15: {  	[smem:$0x3FB9] =	sst s0;
	s0 =	simm.s32 @!p2 $0x0  }
0x16: {  	s3 =	sld [smem:$0x3FDB];
	s0 =	simm.s32 @p2 $0x1  }
0x17: {  	s4 =	simm.s32 $0x1BF5;
	[smem:$0x3FBB] =	sst s0  }
0x18: {  	s0 =	sld [smem:$0x3F9E];
	_ =	swait.ge [sflag:s4], $0x0  }
0x19: {  	s7 =	sld [smem:$0x3F9F]  }
0x1a: {  	s8 =	sadd.s32 $0xFFFFE003, lr  }
0x1b: {  	s9 =	sadd.s32 $0xFFFFFEF7, lr;
	s5 =	simm.s32 $0xFFFFFFFF;
	p2 =	slt.u32 s8, $0xFFFFF086  }
0x1c: {  	p1 =	slt.u32 s9, $0xF7A;
	s5 =	simm.s32 @!p2 $0x0  }
0x1d: {  	s5 =	simm.s32 @p1 $0x1;
	p0 =	seq.s32 s7, s2  }
0x1e: {  	s7 =	smul.u32 @!p0 $0xF7A, s2;
	p2 =	seq.s32 @!p0 s5, $0x0  }
0x1f: {  	s9 =	smul.u32 $0xF7A, s1;
	s8 =	simm.s32 @!p0 $0x1BF5;
	p2 =	por !p2, p0  }
0x20: {  	[sflag:s8] =	ssyncset.s32 @!p0 $0xFFFFF086;
	s6 =	sadd.s32 @!p0 s3, s7;
	s7 =	simm.s32 @!p0 $0x108  }
0x21: {  	s3 =	sadd.s32 s3, s9;
	s6 =	sadd.s32 @!p0 $0x88, s6;
	s7 =	simm.s32 @p2 $0x1082  }
0x22: {  	[simem:s7], [sflag:s8] =	dma.local @!p0 [hbm:s6], $0xF7A  }
0x23: {  	s9 =	sor.u32 $0xD0000000, s2;
	s6 =	simm.s32 $0x108;
	_ =	swait.ge @!p0 [sflag:s8], $0x0  }
0x24: {  	s3 =	sadd.s32 $0x88, s3;
	s6 =	simm.s32 @!p1 $0x1082;
	[sflag:s4] =	ssyncset.s32 $0xFFFFF086  }
0x25: {  	[simem:s6], [sflag:s4] =	dma.local [hbm:s3], $0xF7A  }
0x26: {  	[smem:$0x3F9F] =	sst s1;
	(tag) =	ssettag s2;
	_ =	strace s9  }
0x27: {  	s1 =	sld [smem:$0x3FAF]  }
0x28: {  	s2 =	sld [smem:$0x3FB0]  }
0x29: {  	s4 =	sld [smem:$0x3FB2]  }
0x2a: {  	p0 =	seq.s32 s5, $0x0;
	s5 =	sld [smem:$0x3FB3]  }
0x2b: {  	s6 =	sld [smem:$0x3FB4]  }
0x2c: {  	s7 =	sld [smem:$0x3FB5]  }
0x2d: {  	s3 =	simm.s32 $0x108;
	s8 =	sld [smem:$0x3FB6]  }
0x2e: {  	s3 =	simm.s32 @!p0 $0x1082;
	s9 =	sld [smem:$0x3FB7]  }
0x2f: {  	lr =	sadd.s32 s0, s3;
	s0 =	sld [smem:$0x3FAE]  }
0x30: {  	s3 =	sld [smem:$0x3FB1]  }
0x31: {  	[smem:$0x3FBA] =	sst s10  }
0x32: {  	s10 =	sld [smem:$0x3FB8];
	_ =	sdelay $0x3  }
0x33: {  	p0 =	seq.s32 s10, $0x1;
	s10 =	sld [smem:$0x3FBA];
	_ =	sdelay $0x3  }
0x34: {  	[smem:$0x3FBA] =	sst s10  }
0x35: {  	s10 =	sld [smem:$0x3FB9];
	_ =	sdelay $0x3  }
0x36: {  	p1 =	seq.s32 s10, $0x1;
	s10 =	sld [smem:$0x3FBA];
	_ =	sdelay $0x3  }
0x37: {  	[smem:$0x3FBA] =	sst s10  }
0x38: {  	s10 =	sld [smem:$0x3FBB]  }
0x39: {  	_ = 	snop;
	(pc) =	sbr.ind lr, $3  }
0x3a: {  	_ = 	snop  }
0x3b: {  	_ = 	snop  }
0x3c: {  	p2 =	seq.s32 s10, $0x1;
	s10 =	sld [smem:$0x3FBA]  }
0x3d: {  	_ =	shalt  }
0x3e: {  	_ =	shalt  }
0x3f: {  	_ =	shalt  }
0x40: {  	_ =	shalt  }
0x41: {  	_ =	shalt  }
0x42: {  	_ =	shalt  }
0x43: {  	_ =	shalt  }
0x44: {  	_ =	shalt  }
0x45: {  	_ =	shalt  }
0x46: {  	_ =	shalt  }
0x47: {  	_ =	shalt  }
0x48: {  	_ =	shalt  }
0x49: {  	_ =	shalt  }
0x4a: {  	_ =	shalt  }
0x4b: {  	_ =	shalt  }
0x4c: {  	_ =	shalt  }
0x4d: {  	_ =	shalt  }
0x4e: {  	_ =	shalt  }
0x4f: {  	_ =	shalt  }
0x50: {  	_ =	shalt  }
0x51: {  	_ =	shalt  }
0x52: {  	_ =	shalt  }
0x53: {  	_ =	shalt  }
0x54: {  	_ =	shalt  }
0x55: {  	_ =	shalt  }
0x56: {  	_ =	shalt  }
0x57: {  	_ =	shalt  }
0x58: {  	_ =	shalt  }
0x59: {  	_ =	shalt  }
0x5a: {  	_ =	shalt  }
0x5b: {  	_ =	shalt  }
0x5c: {  	_ =	shalt  }
0x5d: {  	_ =	shalt  }
0x5e: {  	_ =	shalt  }
0x5f: {  	_ =	shalt  }
0x60: {  	_ =	shalt  }
0x61: {  	_ =	shalt  }
0x62: {  	_ =	shalt  }
0x63: {  	_ =	shalt  }
0x64: {  	_ =	shalt  }
0x65: {  	_ =	shalt  }
0x66: {  	_ =	shalt  }
0x67: {  	_ =	shalt  }
0x68: {  	_ =	shalt  }
0x69: {  	_ =	shalt  }
0x6a: {  	_ =	shalt  }
0x6b: {  	_ =	shalt  }
0x6c: {  	_ =	shalt  }
0x6d: {  	_ =	shalt  }
0x6e: {  	_ =	shalt  }
0x6f: {  	_ =	shalt  }
0x70: {  	_ =	shalt  }
0x71: {  	_ =	shalt  }
0x72: {  	_ =	shalt  }
0x73: {  	_ =	shalt  }
0x74: {  	_ =	shalt  }
0x75: {  	_ =	shalt  }
0x76: {  	_ =	shalt  }
0x77: {  	_ =	shalt  }
0x78: {  	_ =	shalt  }
0x79: {  	_ =	shalt  }
0x7a: {  	_ =	shalt  }
0x7b: {  	_ =	shalt  }
0x7c: {  	_ =	shalt  }
0x7d: {  	_ =	shalt  }
0x7e: {  	_ =	shalt  }
0x7f: {  	_ =	shalt  }
0x80: {  	_ =	shalt  }
0x81: {  	_ =	shalt  }
0x82: {  	_ =	shalt  }
0x83: {  	_ =	shalt  }
0x84: {  	_ =	shalt  }
0x85: {  	_ =	shalt  }
0x86: {  	_ =	shalt  }
0x87: {  	_ =	shalt  }
.Lfunc_end0:
.L_simem_size_0:
called_computation_lowered:
.L_overlay_start_0:
0x88: {  	s2 =	sld [smem:$0x3FD9]  }
0x89: {  	s3 =	sld [smem:$0x3FFE];
	_ =	sdelay $0x1  }
0x8a: {  	s1 =	srdreg.scid  }
0x8b: {  	s0 =	sand.u32 $0x1, s1  }
0x8c: {  	s17 =	sshll.u32 s0, $0xA;
	s2 =	sadd.s32 s3, s2  }
0x8d: {  	s2 =	sadd.s32 s2, s17  }
0x8e: {  	[smem:$0x3FC6] =	sst s2  }
0x8f: {  	_ = 	snop  }
0x90: {  	s2 =	sld [smem:$0x3FC9]  }
0x91: {  	s18 =	sld [smem:$0x3FD0];
	(tm) =	ssettm $0x1  }
0x92: {  	s4 =	sld [smem:$0x3FFB];
	_ =	sdelay $0x3  }
0x93: {  	_ =	strace s4  }
0x94: {  	s4 =	sld [smem:$0x3FFC];
	_ =	sdelay $0x3  }
0x95: {  	_ =	strace s4  }
0x96: {  	s4 =	sld [smem:$0x3FFD];
	_ =	sdelay $0x3  }
0x97: {  	_ =	strace s4  }
0x98: {  	_ =	strace $0x8FFFFFFF  }
0x99: {  	s19 =	sld [smem:$0x3FDB];
	_ =	sdelay $0x1  }
0x9a: {  	s5 =	simm.s32 $_scs_section_size  }
0x9b: {  	s6 =	simm.s32 $_size__tile_overlayer_lowered;
	s7 =	simm.s32 $_tile_overlayer_lowered  }
0x9c: {  	s22 =	simm.s32 $0x1BFF;
	s21 =	sshll.u32 s7, $0x1;
	s4 =	sadd.s32 s5, s19  }
0x9d: {  	s8 =	simm.s32 $0x0;
	s20 =	sshll.u32 s6, $0x1;
	s6 =	sadd.s32 s21, s4  }
0x9e: {  	[timem:s8], [sflag:s22] =	dma.local [hbm:s6], s20  }
0x9f: {  	_ =	swait.ge [sflag:s22], s20  }
0xa0: {  	s5 =	ssub.s32 $0x0, s20;
	[sflag:s22] =	ssyncset.done $0x0  }
0xa1: {  	[sflag:s22] =	ssyncadd.s32 s5;
	_ =	sdelay $0x1  }
0xa2: {  	s23 =	simm.s32 $0x1B8B  }
0xa3: {  	_ =	swait.ge [sflag:s23], $0x1  }
0xa4: {  	[sflag:s23] =	ssyncset.done $0x0  }
0xa5: {  	s25 =	simm.s32 $0x1B8E;
	s24 =	sld [smem:$0x3FFE];
	[sflag:s23] =	ssyncadd.s32 $0xFFFFFFFF  }
0xa6: {  	s26 =	simm.s32 $execute0_lowered;
	[smem:$0x3FD2] =	sst s25  }
0xa7: {  	s6 =	sshll.u32 s26, $0x1;
	_ =	strace $0x80000046;
	[dreg:$0x1] =	wrdreg $0xFFFFFFFF  }
0xa8: {  	s28 =	simm.s32 $_size_execute0_lowered;
	s4 =	sadd.s32 s4, s6;
	[dreg:$0x0] =	wrdreg $0x0  }
0xa9: {  	s6 =	sshll.u32 s28, $0x1;
	[dreg:$0x2] =	wrdreg s4  }
0xaa: {  	[dreg:$0x3] =	wrdreg s6  }
0xab: {  	[dreg:$0x4] =	wrdreg $0xC0  }
0xac: {  	_ =	task [dreg:s8], $0x5FFFF  }
0xad: {  	[dreg:$0x1] =	wrdreg $0xFFFFFFFF  }
0xae: {  	[dreg:$0x0] =	wrdreg $0x60  }
0xaf: {  	[dreg:$0x2] =	wrdreg s2  }
0xb0: {  	[dreg:$0x3] =	wrdreg s24  }
0xb1: {  	[dreg:$0x4] =	wrdreg s18  }
0xb2: {  	[dreg:$0x5] =	wrdreg $0x9  }
0xb3: {  	_ =	task.clear_ibuf [dreg:s8], $0x6FFFF;
	_ =	strace $0x90000046  }
0xb4: {  	s29 =	simm.s32 $0x9;
	_ =	strace $0x80000048  }
0xb5: {  	_ =	swait.ge [sflag:s29], $0x1  }
0xb6: {  	[sflag:s29] =	ssyncadd.s32 $0xFFFFFFFF  }
0xb7: {  	_ =	strace $0x90000048  }
0xb8: {  	_ =	sfence  }
0xb9: {  	s30 =	sld [smem:$0x0];
	_ =	sdelay $0x2  }
0xba: {  	s31 =	sshll.u32 s1, $0xD;
	s1 =	sshrl.u32 s1, $0x2  }
0xbb: {  	s3 =	sand.u32 $0x4000, s31;
	s1 =	sadd.s32 s1, s30  }
0xbc: {  	s0 =	sor.u32 s3, s0;
	s1 =	sshll.u32 s1, $0x11  }
0xbd: {  	s0 =	sor.u32 s1, s0  }
0xbe: {  	s0 =	sadd.s32 $0x8F2B, s0  }
0xbf: {  	[sflag:s0] =	ssyncadd.remote.s32 $0x1  }
0xc0: {  	_ =	sfence.sel $0xFFFF  }
0xc1: {  	[dreg:$0x0] =	wrdreg $0xFFFFFFFF;
	(pc) =	sbr.abs _section_cstart, $3  }
0xc2: {  	[dreg:$0x1] =	wrdreg $0xFFFFFFFF  }
0xc3: {  	_ =	task.clear_ibuf [dreg:s8], $0x2FFFF;
	_ =	strace $0x9FFFFFFF  }
0xc4: {  	(tm) =	ssettm $0x7FFFFFFF  }
0xc5: {  	_ =	shalt  }
tec
execute0_lowered:
.L_overlay_start_1:
0x0: {  	(tag) =	ssettag $0x1  }
0x1: {  	s1 =	rddreg [dreg:$0x0]  }
0x2: {  	s0 =	srdreg.scid;
	s2 =	rddreg [dreg:$0x1]  }
0x3: {  	s7 =	stileid.u32;
	s4 =	rddreg [dreg:$0x2]  }
0x4: {  	s9 =	simm.s32 $0xA000;
	s29 =	simm.s32 $0x13800;
	s30 =	simm.s32 $0x14000  }
0x5: {  	s31 =	simm.s32 $0x14800;
	s10 =	simm.s32 $0x18000;
	s11 =	simm.s32 $0x18800  }
0x6: {  	s12 =	simm.s32 $0x19000;
	s13 =	simm.s32 $0x19800;
	s14 =	simm.s32 $0x1A000  }
0x7: {  	s15 =	simm.s32 $0x1A800;
	s16 =	simm.s32 $0x1B000;
	s17 =	simm.s32 $0x1B800  }
0x8: {  	s18 =	simm.s32 $0x1C000;
	s19 =	simm.s32 $0x1C800;
	s20 =	simm.s32 $0x1D000  }
0x9: {  	s21 =	simm.s32 $0x1D800;
	s22 =	simm.s32 $0x1;
	s23 =	simm.s32 $0x2  }
0xa: {  	s0 =	sand.u32 $0x1, s0;
	s3 =	sshll.u32 s7, $0x1;
	s7 =	smul.u32 $0x320000, s7  }
0xb: {  	s5 =	sor.u32 s0, s3;
	s6 =	ssub.s32 $0x2, s0;
	s0 =	smul.u32 $0x190000, s0  }
0xc: {  	s26 =	simm.s32 $0x0;
	s3 =	simm.s32 $0x0;
	s5 =	smul.u32 $0x1400, s5  }
0xd: {  	[smem:$0x7FF] =	sst s3;
	s8 =	sshrl.u32 s6, $0x1;
	s4 =	sadd.s32 s7, s4  }
0xe: {  	s7 =	simm.s32 $0x17000;
	_ =	strace $0x80000047;
	s6 =	ssub.s32 s6, s8  }
.Ltmp0:
0xf: {  	s0 =	sadd.s32 s0, s4;
	s4 =	simm.s32 $0x16000;
	(pc) =	sbr.rel .LBB2_1-.Ltmp0, $4  }
0x10: {  	s8 =	simm.s32 $0x17800;
	s2 =	sadd.s32 s5, s2;
	s28 =	smax.u32 s6, $0x1  }
0x11: {  	v2 =	vlaneseq.u32;
	s5 =	sadd.s32 $0x100, s1;
	s0 =	sadd.s32 $0x1400, s0;
	[dreg:$0x5] =	wrdreg s28  }
0x12: {  	vm0 =	vmmov $0xffff;
	v1 =	vshrl.u32 v2, $0x3;
	s6 =	simm.s32 $0x16800;
	s2 =	sadd.s32 $0x400, s2;
	[dreg:$0x6] =	wrdreg s0  }
0x13: {  	v0 =	vand.u32 $0x7, v2;
	v2 =	vor.u32 $0x8, v2;
	v1 =	vmul.u32 $0x8, v1;
	s0 =	simm.s32 $0x15800;
	[dreg:$0x4] =	wrdreg s2;
	s2 =	simm.s32 $0x15000  }
.LBB2_6:
0x14: {  	s24 =	simm.s32 $0x3  }
0x15: {  	_ =	swait.ge [sflag:s24], $0xA000  }
0x16: {  	[sflag:s24] =	ssyncset.done $0x0  }
0x17: {  	s25 =	simm.s32 $0x4;
	[sflag:s24] =	ssyncadd.s32 $0xFFFF6000  }
0x18: {  	_ =	swait.ge [sflag:s25], $0xA000  }
0x19: {  	s26 =	rddreg [dreg:$0x7]  }
0x1a: {  	s28 =	rddreg [dreg:$0x5];
	s26 =	sadd.s32 $0x1, s26  }
0x1b: {  	p0 =	sne.s32 s26, s28  }
.Ltmp1:
0x1c: {  	_ = 	snop;
	(pc) =	sbr.rel @!p0 .LBB2_7-.Ltmp1, $3  }
0x1d: {  	_ =	sdelay $0x1  }
0x1e: {  	[sflag:s25] =	ssyncset.done $0x0  }
0x1f: {  	[sflag:s25] =	ssyncadd.s32 $0xFFFF6000  }
.LBB2_1:
0x20: {  	[dreg:$0x7] =	wrdreg s26  }
0x21: {  	s24 =	rddreg [dreg:$0x4];
	s28 =	simm.s32 $0x5  }
0x22: {  	[tilespmem:s3], [sflag:$0x5] =	stream.linear.gather [hbm4b:s24+s3], $0xA000, $0x38;
	[tilespmem:$0x1E000] =	vst v63  }
0x23: {  	_ =	swait.ge [sflag:s28], $0xA000  }
0x24: {  	[sflag:s28] =	ssyncset.done $0x0  }
0x25: {  	[sflag:s28] =	ssyncadd.s32 $0xFFFF6000  }
0x26: {  	v3 =	vld [tilespmem:$0x0];
	_ =	sdelay $0x4  }
0x27: {  	v4 =	vshll.u32 v3, $0x2  }
0x28: {  	v3 =	vand.u32 $0x7, v3;
	v4 =	vand.u32 $0xFFFFFFE0, v4  }
0x29: {  	v3 =	vor.u32 v3, v4  }
0x2a: {  	v4 =	vperm.xlane v3, v0;
	_ =	sdelay $0x1  }
0x2b: {  	v4 =	vadd.s32 v1, v4;
	_ =	sdelay $0x1  }
0x2c: {  	v3 =	vperm.xlane v3, v2;
	_ =	sdelay $0x1  }
0x2d: {  	v3 =	vadd.s32 v1, v3  }
0x2e: {  	[tilespmem:s9], [sflag:$0x1] =	stream.indirect_vreg.gather [hbm4b:s1+s3], $0x80, v4, vm0, $0xb8;
	[tilespmem:$0x1E000] =	vst v63  }
0x2f: {  	s25 =	simm.s32 $0xA800  }
0x30: {  	[tilespmem:s25], [sflag:$0x1] =	stream.indirect_vreg.gather [hbm4b:s5+s3], $0x80, v4, vm0, $0xb8;
	[tilespmem:$0x1E000] =	vst v63  }
0x31: {  	s26 =	simm.s32 $0xB000  }
0x32: {  	[tilespmem:s26], [sflag:$0x1] =	stream.indirect_vreg.gather [hbm4b:s1+s3], $0x80, v3, vm0, $0xb8;
	[tilespmem:$0x1E000] =	vst v63  }
0x33: {  	s28 =	simm.s32 $0xB800  }
0x34: {  	[tilespmem:s28], [sflag:$0x1] =	stream.indirect_vreg.gather [hbm4b:s5+s3], $0x80, v3, vm0, $0xb8;
	[tilespmem:$0x1E000] =	vst v63  }
0x35: {  	v3 =	vld [tilespmem:$0x10];
	_ =	sdelay $0x4  }
0x36: {  	v55 =	vshll.u32 v3, $0x2  }
0x37: {  	v3 =	vand.u32 $0x7, v3;
	v4 =	vand.u32 $0xFFFFFFE0, v55  }
0x38: {  	v3 =	vor.u32 v3, v4  }
0x39: {  	v4 =	vperm.xlane v3, v0;
	_ =	sdelay $0x1  }
0x3a: {  	v4 =	vadd.s32 v1, v4;
	_ =	sdelay $0x1  }
0x3b: {  	v3 =	vperm.xlane v3, v2;
	_ =	sdelay $0x1  }
0x3c: {  	s25 =	simm.s32 $0xC000;
	v3 =	vadd.s32 v1, v3  }
0x3d: {  	[tilespmem:s25], [sflag:$0x1] =	stream.indirect_vreg.gather [hbm4b:s1+s3], $0x80, v4, vm0, $0xb8;
	[tilespmem:$0x1E000] =	vst v63  }
0x3e: {  	s26 =	simm.s32 $0xC800  }
0x3f: {  	[tilespmem:s26], [sflag:$0x1] =	stream.indirect_vreg.gather [hbm4b:s5+s3], $0x80, v4, vm0, $0xb8;
	[tilespmem:$0x1E000] =	vst v63  }
0x40: {  	s28 =	simm.s32 $0xD000  }
0x41: {  	[tilespmem:s28], [sflag:$0x1] =	stream.indirect_vreg.gather [hbm4b:s1+s3], $0x80, v3, vm0, $0xb8;
	[tilespmem:$0x1E000] =	vst v63  }
0x42: {  	s25 =	simm.s32 $0xD800  }
0x43: {  	[tilespmem:s25], [sflag:$0x1] =	stream.indirect_vreg.gather [hbm4b:s5+s3], $0x80, v3, vm0, $0xb8;
	[tilespmem:$0x1E000] =	vst v63  }
0x44: {  	v3 =	vld [tilespmem:$0x20];
	_ =	sdelay $0x4  }
0x45: {  	v56 =	vshll.u32 v3, $0x2  }
0x46: {  	v3 =	vand.u32 $0x7, v3;
	v4 =	vand.u32 $0xFFFFFFE0, v56  }
0x47: {  	v3 =	vor.u32 v3, v4  }
0x48: {  	v4 =	vperm.xlane v3, v0;
	_ =	sdelay $0x1  }
0x49: {  	v4 =	vadd.s32 v1, v4;
	_ =	sdelay $0x1  }
0x4a: {  	v3 =	vperm.xlane v3, v2;
	_ =	sdelay $0x1  }
0x4b: {  	s26 =	simm.s32 $0xE000;
	v3 =	vadd.s32 v1, v3  }
0x4c: {  	[tilespmem:s26], [sflag:$0x1] =	stream.indirect_vreg.gather [hbm4b:s1+s3], $0x80, v4, vm0, $0xb8;
	[tilespmem:$0x1E000] =	vst v63  }
0x4d: {  	s28 =	simm.s32 $0xE800  }
0x4e: {  	[tilespmem:s28], [sflag:$0x1] =	stream.indirect_vreg.gather [hbm4b:s5+s3], $0x80, v4, vm0, $0xb8;
	[tilespmem:$0x1E000] =	vst v63  }
0x4f: {  	s25 =	simm.s32 $0xF000  }
0x50: {  	[tilespmem:s25], [sflag:$0x1] =	stream.indirect_vreg.gather [hbm4b:s1+s3], $0x80, v3, vm0, $0xb8;
	[tilespmem:$0x1E000] =	vst v63  }
0x51: {  	s26 =	simm.s32 $0xF800  }
0x52: {  	[tilespmem:s26], [sflag:$0x1] =	stream.indirect_vreg.gather [hbm4b:s5+s3], $0x80, v3, vm0, $0xb8;
	[tilespmem:$0x1E000] =	vst v63  }
0x53: {  	v3 =	vld [tilespmem:$0x30];
	_ =	sdelay $0x4  }
0x54: {  	v57 =	vshll.u32 v3, $0x2  }
0x55: {  	v3 =	vand.u32 $0x7, v3;
	v4 =	vand.u32 $0xFFFFFFE0, v57  }
0x56: {  	v3 =	vor.u32 v3, v4  }
0x57: {  	v4 =	vperm.xlane v3, v0;
	_ =	sdelay $0x1  }
0x58: {  	v4 =	vadd.s32 v1, v4;
	_ =	sdelay $0x1  }
0x59: {  	v3 =	vperm.xlane v3, v2;
	_ =	sdelay $0x1  }
0x5a: {  	s28 =	simm.s32 $0x10000;
	v3 =	vadd.s32 v1, v3  }
0x5b: {  	[tilespmem:s28], [sflag:$0x1] =	stream.indirect_vreg.gather [hbm4b:s1+s3], $0x80, v4, vm0, $0xb8;
	[tilespmem:$0x1E000] =	vst v63  }
0x5c: {  	s25 =	simm.s32 $0x10800  }
0x5d: {  	[tilespmem:s25], [sflag:$0x1] =	stream.indirect_vreg.gather [hbm4b:s5+s3], $0x80, v4, vm0, $0xb8;
	[tilespmem:$0x1E000] =	vst v63  }
0x5e: {  	s26 =	simm.s32 $0x11000  }
0x5f: {  	[tilespmem:s26], [sflag:$0x1] =	stream.indirect_vreg.gather [hbm4b:s1+s3], $0x80, v3, vm0, $0xb8;
	[tilespmem:$0x1E000] =	vst v63  }
0x60: {  	s28 =	simm.s32 $0x11800  }
0x61: {  	[tilespmem:s28], [sflag:$0x1] =	stream.indirect_vreg.gather [hbm4b:s5+s3], $0x80, v3, vm0, $0xb8;
	[tilespmem:$0x1E000] =	vst v63  }
0x62: {  	v3 =	vld [tilespmem:$0x40];
	_ =	sdelay $0x4  }
0x63: {  	v58 =	vshll.u32 v3, $0x2  }
0x64: {  	v3 =	vand.u32 $0x7, v3;
	v4 =	vand.u32 $0xFFFFFFE0, v58  }
0x65: {  	v3 =	vor.u32 v3, v4  }
0x66: {  	v4 =	vperm.xlane v3, v0;
	_ =	sdelay $0x1  }
0x67: {  	v4 =	vadd.s32 v1, v4;
	_ =	sdelay $0x1  }
0x68: {  	v3 =	vperm.xlane v3, v2;
	_ =	sdelay $0x1  }
0x69: {  	s25 =	simm.s32 $0x12000;
	v3 =	vadd.s32 v1, v3  }
0x6a: {  	[tilespmem:s25], [sflag:$0x1] =	stream.indirect_vreg.gather [hbm4b:s1+s3], $0x80, v4, vm0, $0xb8;
	[tilespmem:$0x1E000] =	vst v63  }
0x6b: {  	s26 =	simm.s32 $0x12800  }
0x6c: {  	[tilespmem:s26], [sflag:$0x1] =	stream.indirect_vreg.gather [hbm4b:s5+s3], $0x80, v4, vm0, $0xb8;
	[tilespmem:$0x1E000] =	vst v63  }
0x6d: {  	s28 =	simm.s32 $0x13000  }
0x6e: {  	[tilespmem:s28], [sflag:$0x1] =	stream.indirect_vreg.gather [hbm4b:s1+s3], $0x80, v3, vm0, $0xb8;
	[tilespmem:$0x1E000] =	vst v63  }
0x6f: {  	_ = 	snop  }
0x70: {  	[tilespmem:s29], [sflag:$0x1] =	stream.indirect_vreg.gather [hbm4b:s5+s3], $0x80, v3, vm0, $0xb8;
	[tilespmem:$0x1E000] =	vst v63  }
0x71: {  	v3 =	vld [tilespmem:$0x80];
	_ =	sdelay $0x4  }
0x72: {  	v59 =	vshll.u32 v3, $0x2  }
0x73: {  	v3 =	vand.u32 $0x7, v3;
	v4 =	vand.u32 $0xFFFFFFE0, v59  }
0x74: {  	v3 =	vor.u32 v3, v4  }
0x75: {  	v4 =	vperm.xlane v3, v0;
	_ =	sdelay $0x1  }
0x76: {  	v4 =	vadd.s32 v1, v4;
	_ =	sdelay $0x1  }
0x77: {  	v3 =	vperm.xlane v3, v2;
	_ =	sdelay $0x1  }
0x78: {  	v3 =	vadd.s32 v1, v3  }
0x79: {  	[tilespmem:s30], [sflag:$0x2] =	stream.indirect_vreg.gather [hbm4b:s1+s3], $0x80, v4, vm0, $0xb8;
	[tilespmem:$0x1E000] =	vst v63  }
0x7a: {  	_ = 	snop  }
0x7b: {  	[tilespmem:s31], [sflag:$0x2] =	stream.indirect_vreg.gather [hbm4b:s5+s3], $0x80, v4, vm0, $0xb8;
	[tilespmem:$0x1E000] =	vst v63  }
0x7c: {  	_ = 	snop  }
0x7d: {  	[tilespmem:s2], [sflag:$0x2] =	stream.indirect_vreg.gather [hbm4b:s1+s3], $0x80, v3, vm0, $0xb8;
	[tilespmem:$0x1E000] =	vst v63  }
0x7e: {  	_ = 	snop  }
0x7f: {  	[tilespmem:s0], [sflag:$0x2] =	stream.indirect_vreg.gather [hbm4b:s5+s3], $0x80, v3, vm0, $0xb8;
	[tilespmem:$0x1E000] =	vst v63  }
0x80: {  	v3 =	vld [tilespmem:$0x90];
	_ =	sdelay $0x4  }
0x81: {  	v60 =	vshll.u32 v3, $0x2  }
0x82: {  	v3 =	vand.u32 $0x7, v3;
	v4 =	vand.u32 $0xFFFFFFE0, v60  }
0x83: {  	v3 =	vor.u32 v3, v4  }
0x84: {  	v4 =	vperm.xlane v3, v0;
	_ =	sdelay $0x1  }
0x85: {  	v4 =	vadd.s32 v1, v4;
	_ =	sdelay $0x1  }
0x86: {  	v3 =	vperm.xlane v3, v2;
	_ =	sdelay $0x1  }
0x87: {  	v3 =	vadd.s32 v1, v3  }
0x88: {  	[tilespmem:s4], [sflag:$0x2] =	stream.indirect_vreg.gather [hbm4b:s1+s3], $0x80, v4, vm0, $0xb8;
	[tilespmem:$0x1E000] =	vst v63  }
0x89: {  	_ = 	snop  }
0x8a: {  	[tilespmem:s6], [sflag:$0x2] =	stream.indirect_vreg.gather [hbm4b:s5+s3], $0x80, v4, vm0, $0xb8;
	[tilespmem:$0x1E000] =	vst v63  }
0x8b: {  	_ = 	snop  }
0x8c: {  	[tilespmem:s7], [sflag:$0x2] =	stream.indirect_vreg.gather [hbm4b:s1+s3], $0x80, v3, vm0, $0xb8;
	[tilespmem:$0x1E000] =	vst v63  }
0x8d: {  	_ = 	snop  }
0x8e: {  	[tilespmem:s8], [sflag:$0x2] =	stream.indirect_vreg.gather [hbm4b:s5+s3], $0x80, v3, vm0, $0xb8;
	[tilespmem:$0x1E000] =	vst v63  }
0x8f: {  	v3 =	vld [tilespmem:$0xA0];
	_ =	sdelay $0x4  }
0x90: {  	v61 =	vshll.u32 v3, $0x2  }
0x91: {  	v3 =	vand.u32 $0x7, v3;
	v4 =	vand.u32 $0xFFFFFFE0, v61  }
0x92: {  	v3 =	vor.u32 v3, v4  }
0x93: {  	v4 =	vperm.xlane v3, v0;
	_ =	sdelay $0x1  }
0x94: {  	v4 =	vadd.s32 v1, v4;
	_ =	sdelay $0x1  }
0x95: {  	v3 =	vperm.xlane v3, v2;
	_ =	sdelay $0x1  }
0x96: {  	v3 =	vadd.s32 v1, v3  }
0x97: {  	[tilespmem:s10], [sflag:$0x2] =	stream.indirect_vreg.gather [hbm4b:s1+s3], $0x80, v4, vm0, $0xb8;
	[tilespmem:$0x1E000] =	vst v63  }
0x98: {  	_ = 	snop  }
0x99: {  	[tilespmem:s11], [sflag:$0x2] =	stream.indirect_vreg.gather [hbm4b:s5+s3], $0x80, v4, vm0, $0xb8;
	[tilespmem:$0x1E000] =	vst v63  }
0x9a: {  	_ = 	snop  }
0x9b: {  	[tilespmem:s12], [sflag:$0x2] =	stream.indirect_vreg.gather [hbm4b:s1+s3], $0x80, v3, vm0, $0xb8;
	[tilespmem:$0x1E000] =	vst v63  }
0x9c: {  	_ = 	snop  }
0x9d: {  	[tilespmem:s13], [sflag:$0x2] =	stream.indirect_vreg.gather [hbm4b:s5+s3], $0x80, v3, vm0, $0xb8;
	[tilespmem:$0x1E000] =	vst v63  }
0x9e: {  	v3 =	vld [tilespmem:$0xB0];
	_ =	sdelay $0x4  }
0x9f: {  	v62 =	vshll.u32 v3, $0x2  }
0xa0: {  	v3 =	vand.u32 $0x7, v3;
	v4 =	vand.u32 $0xFFFFFFE0, v62  }
0xa1: {  	v3 =	vor.u32 v3, v4  }
0xa2: {  	v4 =	vperm.xlane v3, v0;
	_ =	sdelay $0x1  }
0xa3: {  	v4 =	vadd.s32 v1, v4;
	_ =	sdelay $0x1  }
0xa4: {  	v3 =	vperm.xlane v3, v2;
	_ =	sdelay $0x1  }
0xa5: {  	v3 =	vadd.s32 v1, v3  }
0xa6: {  	[tilespmem:s14], [sflag:$0x2] =	stream.indirect_vreg.gather [hbm4b:s1+s3], $0x80, v4, vm0, $0xb8;
	[tilespmem:$0x1E000] =	vst v63  }
0xa7: {  	_ = 	snop  }
0xa8: {  	[tilespmem:s15], [sflag:$0x2] =	stream.indirect_vreg.gather [hbm4b:s5+s3], $0x80, v4, vm0, $0xb8;
	[tilespmem:$0x1E000] =	vst v63  }
0xa9: {  	_ = 	snop  }
0xaa: {  	[tilespmem:s16], [sflag:$0x2] =	stream.indirect_vreg.gather [hbm4b:s1+s3], $0x80, v3, vm0, $0xb8;
	[tilespmem:$0x1E000] =	vst v63  }
0xab: {  	_ = 	snop  }
0xac: {  	[tilespmem:s17], [sflag:$0x2] =	stream.indirect_vreg.gather [hbm4b:s5+s3], $0x80, v3, vm0, $0xb8;
	[tilespmem:$0x1E000] =	vst v63  }
0xad: {  	v3 =	vld [tilespmem:$0xC0];
	_ =	sdelay $0x4  }
0xae: {  	v63 =	vshll.u32 v3, $0x2  }
0xaf: {  	v3 =	vand.u32 $0x7, v3;
	v4 =	vand.u32 $0xFFFFFFE0, v63  }
0xb0: {  	v3 =	vor.u32 v3, v4  }
0xb1: {  	v4 =	vperm.xlane v3, v0;
	_ =	sdelay $0x1  }
0xb2: {  	v4 =	vadd.s32 v1, v4;
	_ =	sdelay $0x1  }
0xb3: {  	v3 =	vperm.xlane v3, v2;
	_ =	sdelay $0x1  }
0xb4: {  	v3 =	vadd.s32 v1, v3  }
0xb5: {  	[tilespmem:s18], [sflag:$0x2] =	stream.indirect_vreg.gather [hbm4b:s1+s3], $0x80, v4, vm0, $0xb8;
	[tilespmem:$0x1E000] =	vst v63  }
0xb6: {  	_ = 	snop  }
0xb7: {  	[tilespmem:s19], [sflag:$0x2] =	stream.indirect_vreg.gather [hbm4b:s5+s3], $0x80, v4, vm0, $0xb8;
	[tilespmem:$0x1E000] =	vst v63  }
0xb8: {  	_ = 	snop  }
0xb9: {  	[tilespmem:s20], [sflag:$0x2] =	stream.indirect_vreg.gather [hbm4b:s1+s3], $0x80, v3, vm0, $0xb8;
	[tilespmem:$0x1E000] =	vst v63  }
0xba: {  	s24 =	simm.s32 $0x9F;
	s25 =	simm.s32 $0x1C0;
	s26 =	rddreg [dreg:$0x6]  }
0xbb: {  	[tilespmem:s21], [sflag:$0x2] =	stream.indirect_vreg.gather [hbm4b:s5+s3], $0x80, v3, vm0, $0xb8;
	[tilespmem:$0x1E000] =	vst v63  }
.LBB2_2:
0xbc: {  	_ =	swait.ge [sflag:s22], $0xA000;
	p0 =	seq.s32 s24, $0x9F  }
0xbd: {  	[sflag:s22] =	ssyncset.done $0x0;
	p1 =	seq.s32 @!p0 s24, $0x0  }
0xbe: {  	s28 =	sadd.s32 $0xFFFFEC00, s26;
	[sflag:s22] =	ssyncadd.s32 $0xFFFF6000;
	p1 =	por p0, !p1  }
0xbf: {  	[hbm4b:s28+s3] =	stream.linear.scatter [tilespmem:s9], [sflag:$0x3], $0xA000, $0x38;
	[tilespmem:$0x1E000] =	vst v63  }
.Ltmp2:
0xc0: {  	_ = 	snop;
	(pc) =	sbr.rel @!p1 .LBB2_4-.Ltmp2, $4  }
0xc1: {  	s28 =	simm.s32 @!p0 $0x3  }
0xc2: {  	_ =	swait.ge @!p0 [sflag:s28], $0xA000  }
0xc3: {  	[sflag:s28] =	ssyncset.done @!p0 $0x0  }
0xc4: {  	[sflag:s28] =	ssyncadd.s32 @!p0 $0xFFFF6000  }
0xc5: {  	v3 =	vld [tilespmem:s25+$0xFFFFFF40];
	_ =	sdelay $0x4  }
0xc6: {  	v4 =	vshll.u32 v3, $0x2  }
0xc7: {  	v3 =	vand.u32 $0x7, v3;
	v4 =	vand.u32 $0xFFFFFFE0, v4  }
0xc8: {  	v3 =	vor.u32 v3, v4  }
0xc9: {  	v4 =	vperm.xlane v3, v0;
	_ =	sdelay $0x1  }
0xca: {  	v4 =	vadd.s32 v1, v4;
	_ =	sdelay $0x1  }
0xcb: {  	v3 =	vperm.xlane v3, v2;
	_ =	sdelay $0x1  }
0xcc: {  	v3 =	vadd.s32 v1, v3  }
0xcd: {  	[tilespmem:s9], [sflag:$0x1] =	stream.indirect_vreg.gather [hbm4b:s1+s3], $0x80, v4, vm0, $0xb8;
	[tilespmem:$0x1E000] =	vst v63  }
0xce: {  	s28 =	simm.s32 $0xA800  }
0xcf: {  	[tilespmem:s28], [sflag:$0x1] =	stream.indirect_vreg.gather [hbm4b:s5+s3], $0x80, v4, vm0, $0xb8;
	[tilespmem:$0x1E000] =	vst v63  }
0xd0: {  	s28 =	simm.s32 $0xB000  }
0xd1: {  	[tilespmem:s28], [sflag:$0x1] =	stream.indirect_vreg.gather [hbm4b:s1+s3], $0x80, v3, vm0, $0xb8;
	[tilespmem:$0x1E000] =	vst v63  }
0xd2: {  	s28 =	simm.s32 $0xB800  }
0xd3: {  	[tilespmem:s28], [sflag:$0x1] =	stream.indirect_vreg.gather [hbm4b:s5+s3], $0x80, v3, vm0, $0xb8;
	[tilespmem:$0x1E000] =	vst v63  }
0xd4: {  	v3 =	vld [tilespmem:s25+$0xFFFFFF50];
	_ =	sdelay $0x4  }
0xd5: {  	v60 =	vshll.u32 v3, $0x2  }
0xd6: {  	v3 =	vand.u32 $0x7, v3;
	v4 =	vand.u32 $0xFFFFFFE0, v60  }
0xd7: {  	v3 =	vor.u32 v3, v4  }
0xd8: {  	v4 =	vperm.xlane v3, v0;
	_ =	sdelay $0x1  }
0xd9: {  	v4 =	vadd.s32 v1, v4;
	_ =	sdelay $0x1  }
0xda: {  	v3 =	vperm.xlane v3, v2;
	_ =	sdelay $0x1  }
0xdb: {  	s28 =	simm.s32 $0xC000;
	v3 =	vadd.s32 v1, v3  }
0xdc: {  	[tilespmem:s28], [sflag:$0x1] =	stream.indirect_vreg.gather [hbm4b:s1+s3], $0x80, v4, vm0, $0xb8;
	[tilespmem:$0x1E000] =	vst v63  }
0xdd: {  	s28 =	simm.s32 $0xC800  }
0xde: {  	[tilespmem:s28], [sflag:$0x1] =	stream.indirect_vreg.gather [hbm4b:s5+s3], $0x80, v4, vm0, $0xb8;
	[tilespmem:$0x1E000] =	vst v63  }
0xdf: {  	s28 =	simm.s32 $0xD000  }
0xe0: {  	[tilespmem:s28], [sflag:$0x1] =	stream.indirect_vreg.gather [hbm4b:s1+s3], $0x80, v3, vm0, $0xb8;
	[tilespmem:$0x1E000] =	vst v63  }
0xe1: {  	s28 =	simm.s32 $0xD800  }
0xe2: {  	[tilespmem:s28], [sflag:$0x1] =	stream.indirect_vreg.gather [hbm4b:s5+s3], $0x80, v3, vm0, $0xb8;
	[tilespmem:$0x1E000] =	vst v63  }
0xe3: {  	v3 =	vld [tilespmem:s25+$0xFFFFFF60];
	_ =	sdelay $0x4  }
0xe4: {  	v61 =	vshll.u32 v3, $0x2  }
0xe5: {  	v3 =	vand.u32 $0x7, v3;
	v4 =	vand.u32 $0xFFFFFFE0, v61  }
0xe6: {  	v3 =	vor.u32 v3, v4  }
0xe7: {  	v4 =	vperm.xlane v3, v0;
	_ =	sdelay $0x1  }
0xe8: {  	v4 =	vadd.s32 v1, v4;
	_ =	sdelay $0x1  }
0xe9: {  	v3 =	vperm.xlane v3, v2;
	_ =	sdelay $0x1  }
0xea: {  	s28 =	simm.s32 $0xE000;
	v3 =	vadd.s32 v1, v3  }
0xeb: {  	[tilespmem:s28], [sflag:$0x1] =	stream.indirect_vreg.gather [hbm4b:s1+s3], $0x80, v4, vm0, $0xb8;
	[tilespmem:$0x1E000] =	vst v63  }
0xec: {  	s28 =	simm.s32 $0xE800  }
0xed: {  	[tilespmem:s28], [sflag:$0x1] =	stream.indirect_vreg.gather [hbm4b:s5+s3], $0x80, v4, vm0, $0xb8;
	[tilespmem:$0x1E000] =	vst v63  }
0xee: {  	s28 =	simm.s32 $0xF000  }
0xef: {  	[tilespmem:s28], [sflag:$0x1] =	stream.indirect_vreg.gather [hbm4b:s1+s3], $0x80, v3, vm0, $0xb8;
	[tilespmem:$0x1E000] =	vst v63  }
0xf0: {  	s28 =	simm.s32 $0xF800  }
0xf1: {  	[tilespmem:s28], [sflag:$0x1] =	stream.indirect_vreg.gather [hbm4b:s5+s3], $0x80, v3, vm0, $0xb8;
	[tilespmem:$0x1E000] =	vst v63  }
0xf2: {  	v3 =	vld [tilespmem:s25+$0xFFFFFF70];
	_ =	sdelay $0x4  }
0xf3: {  	v62 =	vshll.u32 v3, $0x2  }
0xf4: {  	v3 =	vand.u32 $0x7, v3;
	v4 =	vand.u32 $0xFFFFFFE0, v62  }
0xf5: {  	v3 =	vor.u32 v3, v4  }
0xf6: {  	v4 =	vperm.xlane v3, v0;
	_ =	sdelay $0x1  }
0xf7: {  	v4 =	vadd.s32 v1, v4;
	_ =	sdelay $0x1  }
0xf8: {  	v3 =	vperm.xlane v3, v2;
	_ =	sdelay $0x1  }
0xf9: {  	s28 =	simm.s32 $0x10000;
	v3 =	vadd.s32 v1, v3  }
0xfa: {  	[tilespmem:s28], [sflag:$0x1] =	stream.indirect_vreg.gather [hbm4b:s1+s3], $0x80, v4, vm0, $0xb8;
	[tilespmem:$0x1E000] =	vst v63  }
0xfb: {  	s28 =	simm.s32 $0x10800  }
0xfc: {  	[tilespmem:s28], [sflag:$0x1] =	stream.indirect_vreg.gather [hbm4b:s5+s3], $0x80, v4, vm0, $0xb8;
	[tilespmem:$0x1E000] =	vst v63  }
0xfd: {  	s28 =	simm.s32 $0x11000  }
0xfe: {  	[tilespmem:s28], [sflag:$0x1] =	stream.indirect_vreg.gather [hbm4b:s1+s3], $0x80, v3, vm0, $0xb8;
	[tilespmem:$0x1E000] =	vst v63  }
0xff: {  	s28 =	simm.s32 $0x11800  }
0x100: {  	[tilespmem:s28], [sflag:$0x1] =	stream.indirect_vreg.gather [hbm4b:s5+s3], $0x80, v3, vm0, $0xb8;
	[tilespmem:$0x1E000] =	vst v63  }
0x101: {  	v3 =	vld [tilespmem:s25+$0xFFFFFF80];
	_ =	sdelay $0x4  }
0x102: {  	v63 =	vshll.u32 v3, $0x2  }
0x103: {  	v3 =	vand.u32 $0x7, v3;
	v4 =	vand.u32 $0xFFFFFFE0, v63  }
0x104: {  	v3 =	vor.u32 v3, v4  }
0x105: {  	v4 =	vperm.xlane v3, v0;
	_ =	sdelay $0x1  }
0x106: {  	v4 =	vadd.s32 v1, v4;
	_ =	sdelay $0x1  }
0x107: {  	v3 =	vperm.xlane v3, v2;
	_ =	sdelay $0x1  }
0x108: {  	s28 =	simm.s32 $0x12000;
	v3 =	vadd.s32 v1, v3  }
0x109: {  	[tilespmem:s28], [sflag:$0x1] =	stream.indirect_vreg.gather [hbm4b:s1+s3], $0x80, v4, vm0, $0xb8;
	[tilespmem:$0x1E000] =	vst v63  }
0x10a: {  	s28 =	simm.s32 $0x12800  }
0x10b: {  	[tilespmem:s28], [sflag:$0x1] =	stream.indirect_vreg.gather [hbm4b:s5+s3], $0x80, v4, vm0, $0xb8;
	[tilespmem:$0x1E000] =	vst v63  }
0x10c: {  	s28 =	simm.s32 $0x13000  }
0x10d: {  	[tilespmem:s28], [sflag:$0x1] =	stream.indirect_vreg.gather [hbm4b:s1+s3], $0x80, v3, vm0, $0xb8;
	[tilespmem:$0x1E000] =	vst v63  }
0x10e: {  	_ = 	snop  }
0x10f: {  	[tilespmem:s29], [sflag:$0x1] =	stream.indirect_vreg.gather [hbm4b:s5+s3], $0x80, v3, vm0, $0xb8;
	[tilespmem:$0x1E000] =	vst v63  }
.LBB2_4:
0x110: {  	_ =	swait.ge [sflag:s23], $0xA000  }
0x111: {  	[sflag:s23] =	ssyncset.done $0x0  }
.Ltmp3:
0x112: {  	s28 =	simm.s32 @!p0 $0x4;
	[sflag:s23] =	ssyncadd.s32 $0xFFFF6000;
	(pc) =	sbr.rel @!p1 .LBB2_6-.Ltmp3, $4  }
0x113: {  	[hbm4b:s26+s3] =	stream.linear.scatter [tilespmem:s30], [sflag:$0x4], $0xA000, $0x38;
	[tilespmem:$0x1E000] =	vst v63  }
0x114: {  	_ =	swait.ge @!p0 [sflag:s28], $0xA000  }
0x115: {  	[sflag:s28] =	ssyncset.done @!p0 $0x0  }
0x116: {  	[sflag:s28] =	ssyncadd.s32 @!p0 $0xFFFF6000  }
0x117: {  	v3 =	vld [tilespmem:s25+$0xFFFFFFC0];
	_ =	sdelay $0x4  }
0x118: {  	v4 =	vshll.u32 v3, $0x2  }
0x119: {  	v3 =	vand.u32 $0x7, v3;
	v4 =	vand.u32 $0xFFFFFFE0, v4  }
0x11a: {  	v3 =	vor.u32 v3, v4  }
0x11b: {  	v4 =	vperm.xlane v3, v0;
	_ =	sdelay $0x1  }
0x11c: {  	v4 =	vadd.s32 v1, v4;
	_ =	sdelay $0x1  }
0x11d: {  	v3 =	vperm.xlane v3, v2;
	_ =	sdelay $0x1  }
0x11e: {  	v3 =	vadd.s32 v1, v3  }
0x11f: {  	[tilespmem:s30], [sflag:$0x2] =	stream.indirect_vreg.gather [hbm4b:s1+s3], $0x80, v4, vm0, $0xb8;
	[tilespmem:$0x1E000] =	vst v63  }
0x120: {  	_ = 	snop  }
0x121: {  	[tilespmem:s31], [sflag:$0x2] =	stream.indirect_vreg.gather [hbm4b:s5+s3], $0x80, v4, vm0, $0xb8;
	[tilespmem:$0x1E000] =	vst v63  }
0x122: {  	_ = 	snop  }
0x123: {  	[tilespmem:s2], [sflag:$0x2] =	stream.indirect_vreg.gather [hbm4b:s1+s3], $0x80, v3, vm0, $0xb8;
	[tilespmem:$0x1E000] =	vst v63  }
0x124: {  	_ = 	snop  }
0x125: {  	[tilespmem:s0], [sflag:$0x2] =	stream.indirect_vreg.gather [hbm4b:s5+s3], $0x80, v3, vm0, $0xb8;
	[tilespmem:$0x1E000] =	vst v63  }
0x126: {  	v3 =	vld [tilespmem:s25+$0xFFFFFFD0];
	_ =	sdelay $0x4  }
0x127: {  	v60 =	vshll.u32 v3, $0x2  }
0x128: {  	v3 =	vand.u32 $0x7, v3;
	v4 =	vand.u32 $0xFFFFFFE0, v60  }
0x129: {  	v3 =	vor.u32 v3, v4  }
0x12a: {  	v4 =	vperm.xlane v3, v0;
	_ =	sdelay $0x1  }
0x12b: {  	v4 =	vadd.s32 v1, v4;
	_ =	sdelay $0x1  }
0x12c: {  	v3 =	vperm.xlane v3, v2;
	_ =	sdelay $0x1  }
0x12d: {  	v3 =	vadd.s32 v1, v3  }
0x12e: {  	[tilespmem:s4], [sflag:$0x2] =	stream.indirect_vreg.gather [hbm4b:s1+s3], $0x80, v4, vm0, $0xb8;
	[tilespmem:$0x1E000] =	vst v63  }
0x12f: {  	_ = 	snop  }
0x130: {  	[tilespmem:s6], [sflag:$0x2] =	stream.indirect_vreg.gather [hbm4b:s5+s3], $0x80, v4, vm0, $0xb8;
	[tilespmem:$0x1E000] =	vst v63  }
0x131: {  	_ = 	snop  }
0x132: {  	[tilespmem:s7], [sflag:$0x2] =	stream.indirect_vreg.gather [hbm4b:s1+s3], $0x80, v3, vm0, $0xb8;
	[tilespmem:$0x1E000] =	vst v63  }
0x133: {  	_ = 	snop  }
0x134: {  	[tilespmem:s8], [sflag:$0x2] =	stream.indirect_vreg.gather [hbm4b:s5+s3], $0x80, v3, vm0, $0xb8;
	[tilespmem:$0x1E000] =	vst v63  }
0x135: {  	v3 =	vld [tilespmem:s25+$0xFFFFFFE0];
	_ =	sdelay $0x4  }
0x136: {  	v61 =	vshll.u32 v3, $0x2  }
0x137: {  	v3 =	vand.u32 $0x7, v3;
	v4 =	vand.u32 $0xFFFFFFE0, v61  }
0x138: {  	v3 =	vor.u32 v3, v4  }
0x139: {  	v4 =	vperm.xlane v3, v0;
	_ =	sdelay $0x1  }
0x13a: {  	v4 =	vadd.s32 v1, v4;
	_ =	sdelay $0x1  }
0x13b: {  	v3 =	vperm.xlane v3, v2;
	_ =	sdelay $0x1  }
0x13c: {  	v3 =	vadd.s32 v1, v3  }
0x13d: {  	[tilespmem:s10], [sflag:$0x2] =	stream.indirect_vreg.gather [hbm4b:s1+s3], $0x80, v4, vm0, $0xb8;
	[tilespmem:$0x1E000] =	vst v63  }
0x13e: {  	_ = 	snop  }
0x13f: {  	[tilespmem:s11], [sflag:$0x2] =	stream.indirect_vreg.gather [hbm4b:s5+s3], $0x80, v4, vm0, $0xb8;
	[tilespmem:$0x1E000] =	vst v63  }
0x140: {  	_ = 	snop  }
0x141: {  	[tilespmem:s12], [sflag:$0x2] =	stream.indirect_vreg.gather [hbm4b:s1+s3], $0x80, v3, vm0, $0xb8;
	[tilespmem:$0x1E000] =	vst v63  }
0x142: {  	_ = 	snop  }
0x143: {  	[tilespmem:s13], [sflag:$0x2] =	stream.indirect_vreg.gather [hbm4b:s5+s3], $0x80, v3, vm0, $0xb8;
	[tilespmem:$0x1E000] =	vst v63  }
0x144: {  	v3 =	vld [tilespmem:s25+$0xFFFFFFF0];
	_ =	sdelay $0x4  }
0x145: {  	v62 =	vshll.u32 v3, $0x2  }
0x146: {  	v3 =	vand.u32 $0x7, v3;
	v4 =	vand.u32 $0xFFFFFFE0, v62  }
0x147: {  	v3 =	vor.u32 v3, v4  }
0x148: {  	v4 =	vperm.xlane v3, v0;
	_ =	sdelay $0x1  }
0x149: {  	v4 =	vadd.s32 v1, v4;
	_ =	sdelay $0x1  }
0x14a: {  	v3 =	vperm.xlane v3, v2;
	_ =	sdelay $0x1  }
0x14b: {  	v3 =	vadd.s32 v1, v3  }
0x14c: {  	[tilespmem:s14], [sflag:$0x2] =	stream.indirect_vreg.gather [hbm4b:s1+s3], $0x80, v4, vm0, $0xb8;
	[tilespmem:$0x1E000] =	vst v63  }
0x14d: {  	_ = 	snop  }
0x14e: {  	[tilespmem:s15], [sflag:$0x2] =	stream.indirect_vreg.gather [hbm4b:s5+s3], $0x80, v4, vm0, $0xb8;
	[tilespmem:$0x1E000] =	vst v63  }
0x14f: {  	_ = 	snop  }
0x150: {  	[tilespmem:s16], [sflag:$0x2] =	stream.indirect_vreg.gather [hbm4b:s1+s3], $0x80, v3, vm0, $0xb8;
	[tilespmem:$0x1E000] =	vst v63  }
0x151: {  	_ = 	snop  }
0x152: {  	[tilespmem:s17], [sflag:$0x2] =	stream.indirect_vreg.gather [hbm4b:s5+s3], $0x80, v3, vm0, $0xb8;
	[tilespmem:$0x1E000] =	vst v63  }
0x153: {  	v3 =	vld [tilespmem:s25+$0x0];
	_ =	sdelay $0x4  }
0x154: {  	v63 =	vshll.u32 v3, $0x2  }
0x155: {  	v3 =	vand.u32 $0x7, v3;
	v4 =	vand.u32 $0xFFFFFFE0, v63  }
0x156: {  	v3 =	vor.u32 v3, v4  }
0x157: {  	v4 =	vperm.xlane v3, v0;
	_ =	sdelay $0x1  }
0x158: {  	v4 =	vadd.s32 v1, v4;
	_ =	sdelay $0x2  }
0x159: {  	v3 =	vperm.xlane v3, v2;
	_ =	sdelay $0x1  }
0x15a: {  	v3 =	vadd.s32 v1, v3;
	[tilespmem:s18], [sflag:$0x2] =	stream.indirect_vreg.gather [hbm4b:s1+s3], $0x80, v4, vm0, $0xb8;
	[tilespmem:$0x1E000] =	vst v63  }
0x15b: {  	_ = 	snop  }
0x15c: {  	[tilespmem:s19], [sflag:$0x2] =	stream.indirect_vreg.gather [hbm4b:s5+s3], $0x80, v4, vm0, $0xb8;
	[tilespmem:$0x1E000] =	vst v63  }
.Ltmp4:
0x15d: {  	_ = 	snop;
	(pc) =	sbr.rel .LBB2_2-.Ltmp4, $4  }
0x15e: {  	_ = 	snop  }
0x15f: {  	[tilespmem:s20], [sflag:$0x2] =	stream.indirect_vreg.gather [hbm4b:s1+s3], $0x80, v3, vm0, $0xb8;
	[tilespmem:$0x1E000] =	vst v63  }
0x160: {  	s24 =	sadd.s32 $0xFFFFFFFF, s24;
	s26 =	sadd.s32 $0x2800, s26;
	s25 =	sadd.s32 $0x100, s25  }
0x161: {  	[tilespmem:s21], [sflag:$0x2] =	stream.indirect_vreg.gather [hbm4b:s5+s3], $0x80, v3, vm0, $0xb8;
	[tilespmem:$0x1E000] =	vst v63  }
.LBB2_7:
0x162: {  	_ =	sfence.sel $0x180000  }
0x163: {  	[bflag:$0x0] =	sbarrier.arrive $0xFFFF  }
0x164: {  	_ =	strace $0x90000047  }
0x165: {  	s0 =	stileid.u32;
	[bflag:$0x2] =	sbarrier.arrive $0xFFFF  }
0x166: {  	p0 =	sne.s32 s0, $0x0;
	s0 =	rddreg [dreg:$0x3]  }
0x167: {  	s0 =	sadd.s32 @!p0 $0x100000, s0  }
0x168: {  	[sflag:s0] =	ssyncadd.tile.s32 @!p0 $0x1;
	_ =	shalt  }
.Lfunc_end2:
_tile_overlayer_lowered:
.L_overlay_start_2:
0x169: {  	(tag) =	ssettag $0x2  }
0x16a: {  	s0 =	rddreg [dreg:$0x0];
	s2 =	stileid.u32  }
0x16b: {  	s1 =	rddreg [dreg:$0x1];
	p0 =	sne.s32 s2, $0x0  }
0x16c: {  	s3 =	rddreg [dreg:$0x2];
	[bflag:$0x3] =	sbarrier.arrive $0xFFFF;
	s2 =	simm.s32 @!p0 $0x1C05  }
0x16d: {  	[timem:s3], [sflag:s2] =	dma.local @!p0 [hbm:s0], s1  }
0x16e: {  	s0 =	simm.s32 @!p0 $0x5  }
0x16f: {  	_ =	swait.ge @!p0 [sflag:s0], s1  }
0x170: {  	s1 =	ssub.s32 @!p0 $0x0, s1;
	[sflag:s0] =	ssyncset.done @!p0 $0x0  }
0x171: {  	[sflag:s0] =	ssyncadd.s32 @!p0 s1  }
0x172: {  	[bflag:$0x3] =	sbarrier.arrive $0xFFFF  }
0x173: {  	_ =	shalt  }

</sc_bundles>
